<compile_context>
chip_gen: v7x
topology: tpu7x:2x2x1
jax: 0.10.2.dev20260603
libtpu: 0.0.44.dev20260713+nightly
codegen_flags: <defaults>
</compile_context>

<pallas_src>
import dataclasses
import functools

import jax
import jax.numpy as jnp
from jax import lax
from jax.experimental import pallas as pl
from jax.experimental.pallas import tpu as pltpu
from jax.experimental.pallas import tpu_sc as plsc

N = 10000
E = 320000
F = 128
H = 256
C = 64

NC = 2
NS = 16
L = 16

NHIST = 10240
NPADX = 10240
NB = 8
RNG = NPADX // NB
PHASES = NB // NC
EPW = E // (NC * NS)
CHUNK = 128
PAIR = 2 * CHUNK
CAPW = 10496
ZROW = N

_VMESH = plsc.VectorSubcoreMesh(core_axis_name="c", subcore_axis_name="s")

_SC_PARAMS = pltpu.CompilerParams()
if "needs_layout_passes" in pltpu.CompilerParams.__dataclass_fields__:
    _SC_PARAMS = dataclasses.replace(_SC_PARAMS, needs_layout_passes=False)


def _degree_body(edges_hbm, out_hbm, idx_v, hist_v, sem):
    c = lax.axis_index("c")
    s = lax.axis_index("s")
    epw = E // NS

    @pl.loop(0, NHIST, step=L)
    def _(i):
        hist_v[pl.ds(i, L)] = jnp.zeros((L,), jnp.float32)

    pltpu.async_copy(edges_hbm.at[pl.ds(c * E + s * epw, epw)], idx_v,
                     sem).wait()
    ones = jnp.full((L,), 1.0, jnp.float32)

    @pl.loop(0, epw, step=L)
    def _(i):
        iv = idx_v[pl.ds(i, L)]
        plsc.addupdate_scatter(hist_v, [iv], ones)

    pltpu.async_copy(hist_v, out_hbm.at[c, s], sem).wait()


@jax.jit
def _degrees(edge_index):
    k = pl.kernel(
        _degree_body,
        out_type=jax.ShapeDtypeStruct((NC, NS, NHIST), jnp.float32),
        mesh=_VMESH,
        compiler_params=_SC_PARAMS,
        scratch_types=[
            pltpu.VMEM((E // NS,), jnp.int32),
            pltpu.VMEM((NHIST,), jnp.float32),
            pltpu.SemaphoreType.DMA,
        ],
    )
    return k(edge_index.reshape(2 * E))


def _norms_body(degp_ref, norms_ref):
    deg = jnp.sum(degp_ref[...], axis=1)
    lane = lax.broadcasted_iota(jnp.int32, (NC, NHIST), 1)
    norm = lax.rsqrt(jnp.maximum(deg, 1.0))
    norms_ref[...] = jnp.where(lane < N, norm, 0.0)


@jax.jit
def _norms(degp):
    return pl.pallas_call(
        _norms_body,
        out_shape=jax.ShapeDtypeStruct((NC, NHIST), jnp.float32),
    )(degp)


def _scale_body(x_ref, onorm_ref, xs_ref):
    xs_ref[...] = x_ref[...] * onorm_ref[...]


@jax.jit
def _scale(in_feat, onorm_col):
    return pl.pallas_call(
        _scale_body,
        out_shape=jax.ShapeDtypeStruct((N, F), jnp.float32),
    )(in_feat, onorm_col)


def _w_body(edges_hbm, inorm_hbm, wps_hbm, src_v, dst_v, inorm_v, whist_v,
            sem):
    c = lax.axis_index("c")
    s = lax.axis_index("s")
    w = c * NS + s

    @pl.loop(0, NHIST, step=L)
    def _(i):
        whist_v[pl.ds(i, L)] = jnp.zeros((L,), jnp.float32)

    pltpu.async_copy(edges_hbm.at[pl.ds(w * EPW, EPW)], src_v, sem).wait()
    pltpu.async_copy(edges_hbm.at[pl.ds(E + w * EPW, EPW)], dst_v,
                     sem).wait()
    pltpu.async_copy(inorm_hbm, inorm_v, sem).wait()

    @pl.loop(0, EPW, step=L)
    def _(i):
        dv = dst_v[pl.ds(i, L)]
        sv = src_v[pl.ds(i, L)]
        vals = plsc.load_gather(inorm_v, [dv])
        plsc.addupdate_scatter(whist_v, [sv], vals)

    pltpu.async_copy(whist_v, wps_hbm.at[c, s], sem).wait()


@jax.jit
def _w_partials(edges_flat, inorm_flat):
    k = pl.kernel(
        _w_body,
        out_type=jax.ShapeDtypeStruct((NC, NS, NHIST), jnp.float32),
        mesh=_VMESH,
        compiler_params=_SC_PARAMS,
        scratch_types=[
            pltpu.VMEM((EPW,), jnp.int32),
            pltpu.VMEM((EPW,), jnp.int32),
            pltpu.VMEM((NHIST,), jnp.float32),
            pltpu.VMEM((NHIST,), jnp.float32),
            pltpu.SemaphoreType.DMA,
        ],
    )
    return k(edges_flat, inorm_flat)


def _bucket_body(edges_hbm, bsrc_hbm, bdst_hbm, bcnt_hbm,
                 src_v, dst_v, os0, os1, os2, os3, od0, od1, od2, od3,
                 cnts_v, cnt_sm, sem):
    c = lax.axis_index("c")
    s = lax.axis_index("s")
    w = c * NS + s
    osrc = [os0, os1, os2, os3]
    odst = [od0, od1, od2, od3]

    pltpu.async_copy(edges_hbm.at[pl.ds(w * EPW, EPW)], src_v, sem).wait()
    pltpu.async_copy(edges_hbm.at[pl.ds(E + w * EPW, EPW)], dst_v,
                     sem).wait()

    for half in range(2):
        for q in range(4):
            cnt_sm[q] = 0

        @pl.loop(0, EPW, step=L)
        def _(i):
            dv = dst_v[pl.ds(i, L)]
            sv = src_v[pl.ds(i, L)]
            bv = lax.shift_right_logical(dv * 13108, 24)
            for q in range(4):
                g = 4 * half + q
                m = bv == g
                cnt = cnt_sm[q]
                plsc.store_compressed(osrc[q].at[pl.ds(cnt, L)], sv, mask=m)
                plsc.store_compressed(odst[q].at[pl.ds(cnt, L)],
                                      dv - g * RNG, mask=m)
                cnt_sm[q] = cnt + jnp.sum(m.astype(jnp.int32))

        zs = jnp.zeros((L,), jnp.int32)
        for q in range(4):
            g = 4 * half + q
            cnt = cnt_sm[q]
            for i in range(PAIR // L):
                osrc[q][pl.ds(cnt + i * L, L)] = zs + ZROW
                odst[q][pl.ds(cnt + i * L, L)] = zs
            npairs = lax.shift_right_logical(cnt + PAIR - 1, 8)
            cnts_v[pl.ds(g * L, L)] = zs + npairs

            @pl.loop(0, npairs)
            def _(j):
                pltpu.async_copy(osrc[q].at[pl.ds(j * PAIR, PAIR)],
                                 bsrc_hbm.at[g, w, pl.ds(j * PAIR, PAIR)],
                                 sem).wait()
                pltpu.async_copy(odst[q].at[pl.ds(j * PAIR, PAIR)],
                                 bdst_hbm.at[g, w, pl.ds(j * PAIR, PAIR)],
                                 sem).wait()

    pltpu.async_copy(cnts_v, bcnt_hbm.at[w], sem).wait()


@jax.jit
def _bucket(edges_flat):
    k = pl.kernel(
        _bucket_body,
        out_type=(
            jax.ShapeDtypeStruct((NB, NC * NS, CAPW), jnp.int32),
            jax.ShapeDtypeStruct((NB, NC * NS, CAPW), jnp.int32),
            jax.ShapeDtypeStruct((NC * NS, NB * L), jnp.int32),
        ),
        mesh=_VMESH,
        compiler_params=_SC_PARAMS,
        scratch_types=(
            [pltpu.VMEM((EPW,), jnp.int32)] * 2
            + [pltpu.VMEM((CAPW,), jnp.int32)] * 8
            + [pltpu.VMEM((NB * L,), jnp.int32),
               pltpu.SMEM((4,), jnp.int32),
               pltpu.SemaphoreType.DMA]
        ),
    )
    return k(edges_flat)


def _agg_body(xs_hbm, bsrc, bdst, bcnt, zeros_hbm, agg_hbm,
              xs_sp, agg_sp, sidx0, sidx1, didx0, didx1, buf0, buf1,
              cnt_v0, cnt_v1, sem_i, sem_g, sem_s0, sem_s1):
    c = lax.axis_index("c")
    s = lax.axis_index("s")
    xrows = NPADX // NS
    arows = RNG // NS

    pltpu.async_copy(xs_hbm.at[pl.ds(s * xrows, xrows)],
                     xs_sp.at[pl.ds(s * xrows, xrows)], sem_i).wait()
    pltpu.async_copy(bcnt.at[2 * s], cnt_v0, sem_i).wait()
    pltpu.async_copy(bcnt.at[2 * s + 1], cnt_v1, sem_i).wait()

    for p in range(PHASES):
        g = c * PHASES + p
        pltpu.async_copy(zeros_hbm.at[pl.ds(s * arows, arows)],
                         agg_sp.at[pl.ds(s * arows, arows)], sem_i).wait()
        plsc.subcore_barrier()

        for wi in range(2):
            w = 2 * s + wi
            cnt_v = cnt_v0 if wi == 0 else cnt_v1
            npairs = jnp.max(cnt_v[pl.ds(g * L, L)])

            @pl.loop(0, npairs)
            def _(j):
                @pl.when(j > 0)
                def _():
                    pltpu.make_async_copy(buf0, agg_sp.at[didx0],
                                          sem_s0).wait()
                    pltpu.make_async_copy(buf1, agg_sp.at[didx1],
                                          sem_s1).wait()
                base = j * PAIR
                pltpu.async_copy(bsrc.at[g, w, pl.ds(base, CHUNK)], sidx0,
                                 sem_i)
                pltpu.async_copy(bdst.at[g, w, pl.ds(base, CHUNK)], didx0,
                                 sem_i)
                pltpu.async_copy(bsrc.at[g, w, pl.ds(base + CHUNK, CHUNK)],
                                 sidx1, sem_i)
                pltpu.async_copy(bdst.at[g, w, pl.ds(base + CHUNK, CHUNK)],
                                 didx1, sem_i)
                pltpu.make_async_copy(bsrc.at[g, w, pl.ds(base, CHUNK)],
                                      sidx0, sem_i).wait()
                pltpu.make_async_copy(bdst.at[g, w, pl.ds(base, CHUNK)],
                                      didx0, sem_i).wait()
                pltpu.make_async_copy(bsrc.at[g, w,
                                              pl.ds(base + CHUNK, CHUNK)],
                                      sidx1, sem_i).wait()
                pltpu.make_async_copy(bdst.at[g, w,
                                              pl.ds(base + CHUNK, CHUNK)],
                                      didx1, sem_i).wait()
                pltpu.async_copy(xs_sp.at[sidx0], buf0, sem_g).wait()
                pltpu.async_copy(buf0, agg_sp.at[didx0], sem_s0, add=True)
                pltpu.async_copy(xs_sp.at[sidx1], buf1, sem_g).wait()
                pltpu.async_copy(buf1, agg_sp.at[didx1], sem_s1, add=True)

            @pl.when(npairs > 0)
            def _():
                pltpu.make_async_copy(buf0, agg_sp.at[didx0], sem_s0).wait()
                pltpu.make_async_copy(buf1, agg_sp.at[didx1], sem_s1).wait()

        plsc.subcore_barrier()
        pltpu.async_copy(agg_sp.at[pl.ds(s * arows, arows)],
                         agg_hbm.at[pl.ds(g * RNG + s * arows, arows)],
                         sem_i).wait()


@jax.jit
def _aggregate(xs_pad, bsrc, bdst, bcnt, zeros_rows):
    k = pl.kernel(
        _agg_body,
        out_type=jax.ShapeDtypeStruct((NPADX, F), jnp.float32),
        mesh=_VMESH,
        compiler_params=_SC_PARAMS,
        scratch_types=[
            pltpu.VMEM_SHARED((NPADX, F), jnp.float32),
            pltpu.VMEM_SHARED((RNG, F), jnp.float32),
            pltpu.VMEM((CHUNK,), jnp.int32),
            pltpu.VMEM((CHUNK,), jnp.int32),
            pltpu.VMEM((CHUNK,), jnp.int32),
            pltpu.VMEM((CHUNK,), jnp.int32),
            pltpu.VMEM((CHUNK, F), jnp.float32),
            pltpu.VMEM((CHUNK, F), jnp.float32),
            pltpu.VMEM((NB * L,), jnp.int32),
            pltpu.VMEM((NB * L,), jnp.int32),
            pltpu.SemaphoreType.DMA,
            pltpu.SemaphoreType.DMA,
            pltpu.SemaphoreType.DMA,
            pltpu.SemaphoreType.DMA,
        ],
    )
    return k(xs_pad, bsrc, bdst, bcnt, zeros_rows)


def _final_body(agg_ref, inorm_ref, onorm_ref, wps_ref, w1_ref, b1_ref,
                w2_ref, b2_ref, out_ref):
    a = agg_ref[:N, :] * inorm_ref[...]
    z = jnp.dot(a, w1_ref[...], preferred_element_type=jnp.float32,
                precision=lax.Precision.HIGHEST) + b1_ref[...]
    h = jnp.maximum(z, 0.0)
    wpre = jnp.sum(wps_ref[...], axis=0, keepdims=True)[:, :N]
    w_row = wpre * onorm_ref[...]
    v = jnp.dot(w_row, h, preferred_element_type=jnp.float32,
                precision=lax.Precision.HIGHEST) * (1.0 / N)
    out_ref[...] = jnp.dot(v, w2_ref[...], preferred_element_type=jnp.float32,
                           precision=lax.Precision.HIGHEST) + b2_ref[...]


@jax.jit
def _final(agg, inorm_col, onorm_row, wps2, W1, b1, W2, b2):
    return pl.pallas_call(
        _final_body,
        out_shape=jax.ShapeDtypeStruct((1, C), jnp.float32),
    )(agg, inorm_col, onorm_row, wps2, W1, b1, W2, b2)


def kernel(in_feat, edge_index, W1, b1, W2, b2):
    edges_flat = edge_index.reshape(2 * E)

    degp = _degrees(edge_index)
    norms = _norms(degp)

    onorm_col = norms[0].reshape(NHIST, 1)[:N]
    inorm_col = norms[1].reshape(NHIST, 1)[:N]
    onorm_row = norms[0:1, :N]
    inorm_flat = norms[1]

    xs = _scale(in_feat, onorm_col)
    wps = _w_partials(edges_flat, inorm_flat)
    bsrc, bdst, bcnt = _bucket(edges_flat)

    xs_pad = jnp.concatenate(
        [xs, jnp.zeros((NPADX - N, F), jnp.float32)])
    zeros_rows = jnp.zeros((RNG, F), jnp.float32)
    agg = _aggregate(xs_pad, bsrc, bdst, bcnt, zeros_rows)

    wps2 = wps.reshape(NC * NS, NHIST)
    out = _final(agg, inorm_col, onorm_row, wps2, W1,
                 b1.reshape(1, H), W2, b2.reshape(1, C))
    return out

# --- scband reference (transcript-rebuilt; emitter-appended) ---
"""Pipeline reference for scband-gcn-8735963480286 (READ-ONLY COPY).

The authoritative reference and input builder live on the scoring server;
editing this copy changes nothing except your own understanding.
"""

import jax, jax.numpy as jnp
import numpy as np

N = 10000
E = 320000
IN_FEATS = 128
H_FEATS = 256
NUM_CLASSES = 64


def setup_inputs(seed: int = 0) -> dict:
    key = jax.random.key(seed)
    k1, k2, k3, k4, k5, k6 = jax.random.split(key, 6)
    in_feat = jax.random.normal(k1, (N, IN_FEATS), dtype=jnp.float32)
    edge_index = jax.random.randint(k2, (2, E), 0, N, dtype=jnp.int32)
    # GraphConv weights (Glorot-ish init)
    W1 = jax.random.normal(k3, (IN_FEATS, H_FEATS), dtype=jnp.float32) * (1.0 / np.sqrt(IN_FEATS))
    b1 = jnp.zeros((H_FEATS,), dtype=jnp.float32)
    W2 = jax.random.normal(k4, (H_FEATS, NUM_CLASSES), dtype=jnp.float32) * (1.0 / np.sqrt(H_FEATS))
    b2 = jnp.zeros((NUM_CLASSES,), dtype=jnp.float32)
    return {"in_feat": in_feat, "edge_index": edge_index, "W1": W1, "b1": b1, "W2": W2, "b2": b2}


def _graph_conv(x, W, b, src, dst, out_norm, in_norm):
    # DGL GraphConv with norm='both':
    # h = D_in^{-1/2} * A^T (D_out^{-1/2} * x) * W + b   (message src -> dst, sum aggregation)
    x = x * out_norm[:, None]
    msgs = jnp.take(x, src, axis=0)
    agg = jax.ops.segment_sum(msgs, dst, num_segments=N)
    agg = agg * in_norm[:, None]
    return agg @ W + b


def reference(in_feat, edge_index, W1, b1, W2, b2):
    src = edge_index[0]
    dst = edge_index[1]
    out_deg = jnp.bincount(src, length=N).astype(jnp.float32)
    in_deg = jnp.bincount(dst, length=N).astype(jnp.float32)
    # allow_zero_in_degree=True: clamp degrees to min 1 as DGL does for norm
    out_norm = jnp.power(jnp.clip(out_deg, 1.0, None), -0.5)
    in_norm = jnp.power(jnp.clip(in_deg, 1.0, None), -0.5)
    h = _graph_conv(in_feat, W1, b1, src, dst, out_norm, in_norm)
    h = jax.nn.relu(h)
    h = _graph_conv(h, W2, b2, src, dst, out_norm, in_norm)
    # dgl.mean_nodes over a single graph -> mean over all nodes, shape [1, num_classes]
    return jnp.mean(h, axis=0, keepdims=True)

if __name__ == "__main__":
    import jax
    _d = setup_inputs()
    print(jax.jit(kernel)(*tuple(_d.values())))

</pallas_src>

<mosaic_0001>
#map = affine_map<(d0, d1) -> (0)>
#map1 = affine_map<(d0, d1) -> (0, 0, 0)>
module attributes {stable_mosaic.version = 14 : i64} {
  func.func @_degree_body(%arg0: i32, %arg1: i32, %arg2: memref<640000xi32, #tpu.memory_space<hbm>>, %arg3: memref<2x16x10240xf32, #tpu.memory_space<hbm>>, %arg4: memref<20000xi32, #tpu.memory_space<vmem>>, %arg5: memref<10240xf32, #tpu.memory_space<vmem>>, %arg6: memref<!tpu.dma_semaphore, #tpu.memory_space<semaphore_mem>>) attributes {dimension_semantics = [#tpu.dimension_semantics<core_parallel>, #tpu.dimension_semantics<subcore_parallel>], iteration_bounds = array<i64: 2, 16>, scalar_prefetch = 0 : i64, scratch_operands = 3 : i64, tpu.core_type = #tpu.core_type<sc_vector_subcore>, window_params = [{transform_indices = #map}, {transform_indices = #map1}]} {
    %scan3A = arith.constant 0 : i32
    %scan3A_0 = arith.constant 640 : i32
    %scan3A_1 = arith.addi %scan3A, %scan3A_0 : i32
    %scan3A_2 = arith.constant 1 : i32
    scf.for %scan3A_27 = %scan3A to %scan3A_1 step %scan3A_2  : i32 {
      %mul3A_28 = arith.constant 16 : i32
      %mul3A_29 = arith.muli %scan3A_27, %mul3A_28 : i32
      %add3A_30 = arith.constant 0 : i32
      %add3A_31 = arith.addi %add3A_30, %mul3A_29 : i32
      %broadcast_in_dim3A_32 = arith.constant 0.000000e+00 : f32
      %broadcast_in_dim3A_33 = vector.broadcast %broadcast_in_dim3A_32 : f32 to vector<16xf32>
      %swap3A = arith.index_cast %add3A_31 : i32 to index
      %swap3A_34 = tpu.vector_load %arg5[%swap3A] {strides = array<i32>} : memref<10240xf32, #tpu.memory_space<vmem>>, vector<16xf32>,
      tpu.vector_store %arg5[%swap3A], %broadcast_in_dim3A_33 {strides = array<i32>} : memref<10240xf32, #tpu.memory_space<vmem>>, vector<16xf32>,
    }
    %scan3A_3 = arith.constant 640 : i32
    %mul3A = arith.constant 320000 : i32
    %mul3A_4 = arith.muli %arg0, %mul3A : i32
    %mul3A_5 = arith.constant 20000 : i32
    %mul3A_6 = arith.muli %arg1, %mul3A_5 : i32
    %add3A = arith.addi %mul3A_4, %mul3A_6 : i32
    %dma_start3A = tpu.memref_slice %arg2[%add3A] : memref<640000xi32, #tpu.memory_space<hbm>> -> memref<20000xi32, #tpu.memory_space<hbm>>
    %dma_start3A_7 = tpu.memref_slice %arg2[%add3A] : memref<640000xi32, #tpu.memory_space<hbm>> -> memref<20000xi32, #tpu.memory_space<hbm>>
    tpu.enqueue_dma source(%dma_start3A_7 : memref<20000xi32, #tpu.memory_space<hbm>>) target(%arg4 : memref<20000xi32, #tpu.memory_space<vmem>>) target_semaphore(%arg6 : memref<!tpu.dma_semaphore, #tpu.memory_space<semaphore_mem>>)
    %dma_wait3A = tpu.memref_slice %arg2[%add3A] : memref<640000xi32, #tpu.memory_space<hbm>> -> memref<20000xi32, #tpu.memory_space<hbm>>
    %dma_wait3A_8 = tpu.memref_slice %arg2[%add3A] : memref<640000xi32, #tpu.memory_space<hbm>> -> memref<20000xi32, #tpu.memory_space<hbm>>
    tpu.wait_dma2 semaphore(%arg6 : memref<!tpu.dma_semaphore, #tpu.memory_space<semaphore_mem>>) src(%dma_wait3A_8 : memref<20000xi32, #tpu.memory_space<hbm>>) dst(%arg4 : memref<20000xi32, #tpu.memory_space<vmem>>)
    %broadcast_in_dim3A = arith.constant 1.000000e+00 : f32
    %broadcast_in_dim3A_9 = vector.broadcast %broadcast_in_dim3A : f32 to vector<16xf32>
    %scan3A_10 = arith.constant 0 : i32
    %scan3A_11 = arith.constant 1250 : i32
    %scan3A_12 = arith.addi %scan3A_10, %scan3A_11 : i32
    %scan3A_13 = arith.constant 1 : i32
    scf.for %scan3A_27 = %scan3A_10 to %scan3A_12 step %scan3A_13  : i32 {
      %mul3A_28 = arith.constant 16 : i32
      %mul3A_29 = arith.muli %scan3A_27, %mul3A_28 : i32
      %add3A_30 = arith.constant 0 : i32
      %add3A_31 = arith.addi %add3A_30, %mul3A_29 : i32
      %get3A = arith.index_cast %add3A_31 : i32 to index
      %get3A_32 = tpu.vector_load %arg4[%get3A] {strides = array<i32>} : memref<20000xi32, #tpu.memory_space<vmem>>, vector<16xi32>,
      tpu.vector_store_idx %arg5[%get3A_32], %broadcast_in_dim3A_9 {add = true} : memref<10240xf32, #tpu.memory_space<vmem>>[vector<16xi32>], vector<16xf32>,
    }
    %scan3A_14 = arith.constant 1250 : i32
    %dma_start3A_15 = arith.constant 0 : i32
    %dma_start3A_16 = tpu.memref_slice %arg3[%arg0, %arg1, %dma_start3A_15] : memref<2x16x10240xf32, #tpu.memory_space<hbm>> -> memref<1x1x10240xf32, #tpu.memory_space<hbm>>
    %dma_start3A_17 = tpu.memref_squeeze %dma_start3A_16 : memref<1x1x10240xf32, #tpu.memory_space<hbm>> -> memref<10240xf32, #tpu.memory_space<hbm>>
    %dma_start3A_18 = arith.constant 0 : i32
    %dma_start3A_19 = tpu.memref_slice %arg3[%arg0, %arg1, %dma_start3A_18] : memref<2x16x10240xf32, #tpu.memory_space<hbm>> -> memref<1x1x10240xf32, #tpu.memory_space<hbm>>
    %dma_start3A_20 = tpu.memref_squeeze %dma_start3A_19 : memref<1x1x10240xf32, #tpu.memory_space<hbm>> -> memref<10240xf32, #tpu.memory_space<hbm>>
    tpu.enqueue_dma source(%arg5 : memref<10240xf32, #tpu.memory_space<vmem>>) target(%dma_start3A_20 : memref<10240xf32, #tpu.memory_space<hbm>>) target_semaphore(%arg6 : memref<!tpu.dma_semaphore, #tpu.memory_space<semaphore_mem>>)
    %dma_wait3A_21 = arith.constant 0 : i32
    %dma_wait3A_22 = tpu.memref_slice %arg3[%arg0, %arg1, %dma_wait3A_21] : memref<2x16x10240xf32, #tpu.memory_space<hbm>> -> memref<1x1x10240xf32, #tpu.memory_space<hbm>>
    %dma_wait3A_23 = tpu.memref_squeeze %dma_wait3A_22 : memref<1x1x10240xf32, #tpu.memory_space<hbm>> -> memref<10240xf32, #tpu.memory_space<hbm>>
    %dma_wait3A_24 = arith.constant 0 : i32
    %dma_wait3A_25 = tpu.memref_slice %arg3[%arg0, %arg1, %dma_wait3A_24] : memref<2x16x10240xf32, #tpu.memory_space<hbm>> -> memref<1x1x10240xf32, #tpu.memory_space<hbm>>
    %dma_wait3A_26 = tpu.memref_squeeze %dma_wait3A_25 : memref<1x1x10240xf32, #tpu.memory_space<hbm>> -> memref<10240xf32, #tpu.memory_space<hbm>>
    tpu.wait_dma2 semaphore(%arg6 : memref<!tpu.dma_semaphore, #tpu.memory_space<semaphore_mem>>) src(%arg5 : memref<10240xf32, #tpu.memory_space<vmem>>) dst(%dma_wait3A_26 : memref<10240xf32, #tpu.memory_space<hbm>>)
    return
  }
}

</mosaic_0001>

<sc_bundles>
// kernel: _degrees.3.cloned.1.call-start
scs
__scs_entry_jumppad:
0x0: {  	(pc) =	sbr.rel $0x88, $3  }
0x1: {  	(tag) =	ssettag $0x0;
	lr =	simm.s32 $0x1  }
0x2: {  	[smem:$0x3FA0] =	sst lr;
	_ =	strace $0xD0000000  }
0x3: {  	_ = 	snop  }
0x4: {  	_ = 	snop  }
0x5: {  	_ = 	snop  }
0x6: {  	_ = 	snop  }
0x7: {  	_ = 	snop  }
__scs_overlays_trampoline_lowered:
0x8: {  	[smem:$0x3FAF] =	sst s0  }
0x9: {  	[smem:$0x3FB0] =	sst s1  }
0xa: {  	[smem:$0x3FB1] =	sst s2  }
0xb: {  	[smem:$0x3FB2] =	sst s3  }
0xc: {  	[smem:$0x3FB3] =	sst s4  }
0xd: {  	[smem:$0x3FB4] =	sst s5  }
0xe: {  	[smem:$0x3FB5] =	sst s6  }
0xf: {  	[smem:$0x3FB6] =	sst s7  }
0x10: {  	[smem:$0x3FB7] =	sst s8  }
0x11: {  	[smem:$0x3FB8] =	sst s9;
	s0 =	simm.s32 @!p0 $0x0  }
0x12: {  	s1 =	sld [smem:$0x3F9E];
	s0 =	simm.s32 @p0 $0x1  }
0x13: {  	[smem:$0x3FB9] =	sst s0;
	s0 =	simm.s32 @!p1 $0x0  }
0x14: {  	s2 =	sld [smem:$0x3F9D];
	s0 =	simm.s32 @p1 $0x1  }
0x15: {  	[smem:$0x3FBA] =	sst s0;
	s0 =	simm.s32 @!p2 $0x0  }
0x16: {  	s3 =	sld [smem:$0x3FDB];
	s0 =	simm.s32 @p2 $0x1  }
0x17: {  	s4 =	simm.s32 $0x1BF5;
	[smem:$0x3FBC] =	sst s0  }
0x18: {  	s0 =	sld [smem:$0x3F9F];
	_ =	swait.ge [sflag:s4], $0x0  }
0x19: {  	s7 =	sld [smem:$0x3FA0]  }
0x1a: {  	s8 =	sadd.s32 $0xFFFFE003, lr  }
0x1b: {  	s9 =	sadd.s32 $0xFFFFFEF7, lr;
	s5 =	simm.s32 $0xFFFFFFFF;
	p2 =	slt.u32 s8, $0xFFFFF086  }
0x1c: {  	p1 =	slt.u32 s9, $0xF7A;
	s5 =	simm.s32 @!p2 $0x0  }
0x1d: {  	s5 =	simm.s32 @p1 $0x1;
	p0 =	seq.s32 s7, s2  }
0x1e: {  	s7 =	smul.u32 @!p0 $0xF7A, s2;
	p2 =	seq.s32 @!p0 s5, $0x0  }
0x1f: {  	s9 =	smul.u32 $0xF7A, s1;
	s8 =	simm.s32 @!p0 $0x1BF5;
	p2 =	por !p2, p0  }
0x20: {  	[sflag:s8] =	ssyncset.s32 @!p0 $0xFFFFF086;
	s6 =	sadd.s32 @!p0 s3, s7;
	s7 =	simm.s32 @!p0 $0x108  }
0x21: {  	s3 =	sadd.s32 s3, s9;
	s6 =	sadd.s32 @!p0 $0x88, s6;
	s7 =	simm.s32 @p2 $0x1082  }
0x22: {  	[simem:s7], [sflag:s8] =	dma.local @!p0 [hbm:s6], $0xF7A  }
0x23: {  	s9 =	sor.u32 $0xD0000000, s2;
	s6 =	simm.s32 $0x108;
	_ =	swait.ge @!p0 [sflag:s8], $0x0  }
0x24: {  	s3 =	sadd.s32 $0x88, s3;
	s6 =	simm.s32 @!p1 $0x1082;
	[sflag:s4] =	ssyncset.s32 $0xFFFFF086  }
0x25: {  	[simem:s6], [sflag:s4] =	dma.local [hbm:s3], $0xF7A  }
0x26: {  	[smem:$0x3FA0] =	sst s1;
	(tag) =	ssettag s2;
	_ =	strace s9  }
0x27: {  	s1 =	sld [smem:$0x3FB0]  }
0x28: {  	s2 =	sld [smem:$0x3FB1]  }
0x29: {  	s4 =	sld [smem:$0x3FB3]  }
0x2a: {  	p0 =	seq.s32 s5, $0x0;
	s5 =	sld [smem:$0x3FB4]  }
0x2b: {  	s6 =	sld [smem:$0x3FB5]  }
0x2c: {  	s7 =	sld [smem:$0x3FB6]  }
0x2d: {  	s3 =	simm.s32 $0x108;
	s8 =	sld [smem:$0x3FB7]  }
0x2e: {  	s3 =	simm.s32 @!p0 $0x1082;
	s9 =	sld [smem:$0x3FB8]  }
0x2f: {  	lr =	sadd.s32 s0, s3;
	s0 =	sld [smem:$0x3FAF]  }
0x30: {  	s3 =	sld [smem:$0x3FB2]  }
0x31: {  	[smem:$0x3FBB] =	sst s10  }
0x32: {  	s10 =	sld [smem:$0x3FB9];
	_ =	sdelay $0x3  }
0x33: {  	p0 =	seq.s32 s10, $0x1;
	s10 =	sld [smem:$0x3FBB];
	_ =	sdelay $0x3  }
0x34: {  	[smem:$0x3FBB] =	sst s10  }
0x35: {  	s10 =	sld [smem:$0x3FBA];
	_ =	sdelay $0x3  }
0x36: {  	p1 =	seq.s32 s10, $0x1;
	s10 =	sld [smem:$0x3FBB];
	_ =	sdelay $0x3  }
0x37: {  	[smem:$0x3FBB] =	sst s10  }
0x38: {  	s10 =	sld [smem:$0x3FBC]  }
0x39: {  	_ = 	snop;
	(pc) =	sbr.ind lr, $3  }
0x3a: {  	_ = 	snop  }
0x3b: {  	_ = 	snop  }
0x3c: {  	p2 =	seq.s32 s10, $0x1;
	s10 =	sld [smem:$0x3FBB]  }
0x3d: {  	_ =	shalt  }
0x3e: {  	_ =	shalt  }
0x3f: {  	_ =	shalt  }
0x40: {  	_ =	shalt  }
0x41: {  	_ =	shalt  }
0x42: {  	_ =	shalt  }
0x43: {  	_ =	shalt  }
0x44: {  	_ =	shalt  }
0x45: {  	_ =	shalt  }
0x46: {  	_ =	shalt  }
0x47: {  	_ =	shalt  }
0x48: {  	_ =	shalt  }
0x49: {  	_ =	shalt  }
0x4a: {  	_ =	shalt  }
0x4b: {  	_ =	shalt  }
0x4c: {  	_ =	shalt  }
0x4d: {  	_ =	shalt  }
0x4e: {  	_ =	shalt  }
0x4f: {  	_ =	shalt  }
0x50: {  	_ =	shalt  }
0x51: {  	_ =	shalt  }
0x52: {  	_ =	shalt  }
0x53: {  	_ =	shalt  }
0x54: {  	_ =	shalt  }
0x55: {  	_ =	shalt  }
0x56: {  	_ =	shalt  }
0x57: {  	_ =	shalt  }
0x58: {  	_ =	shalt  }
0x59: {  	_ =	shalt  }
0x5a: {  	_ =	shalt  }
0x5b: {  	_ =	shalt  }
0x5c: {  	_ =	shalt  }
0x5d: {  	_ =	shalt  }
0x5e: {  	_ =	shalt  }
0x5f: {  	_ =	shalt  }
0x60: {  	_ =	shalt  }
0x61: {  	_ =	shalt  }
0x62: {  	_ =	shalt  }
0x63: {  	_ =	shalt  }
0x64: {  	_ =	shalt  }
0x65: {  	_ =	shalt  }
0x66: {  	_ =	shalt  }
0x67: {  	_ =	shalt  }
0x68: {  	_ =	shalt  }
0x69: {  	_ =	shalt  }
0x6a: {  	_ =	shalt  }
0x6b: {  	_ =	shalt  }
0x6c: {  	_ =	shalt  }
0x6d: {  	_ =	shalt  }
0x6e: {  	_ =	shalt  }
0x6f: {  	_ =	shalt  }
0x70: {  	_ =	shalt  }
0x71: {  	_ =	shalt  }
0x72: {  	_ =	shalt  }
0x73: {  	_ =	shalt  }
0x74: {  	_ =	shalt  }
0x75: {  	_ =	shalt  }
0x76: {  	_ =	shalt  }
0x77: {  	_ =	shalt  }
0x78: {  	_ =	shalt  }
0x79: {  	_ =	shalt  }
0x7a: {  	_ =	shalt  }
0x7b: {  	_ =	shalt  }
0x7c: {  	_ =	shalt  }
0x7d: {  	_ =	shalt  }
0x7e: {  	_ =	shalt  }
0x7f: {  	_ =	shalt  }
0x80: {  	_ =	shalt  }
0x81: {  	_ =	shalt  }
0x82: {  	_ =	shalt  }
0x83: {  	_ =	shalt  }
0x84: {  	_ =	shalt  }
0x85: {  	_ =	shalt  }
0x86: {  	_ =	shalt  }
0x87: {  	_ =	shalt  }
.Lfunc_end0:
.L_simem_size_0:
called_computation_lowered:
.L_overlay_start_0:
0x88: {  	s2 =	sld [smem:$0x3FD9]  }
0x89: {  	s3 =	sld [smem:$0x3FFE];
	_ =	sdelay $0x1  }
0x8a: {  	s1 =	srdreg.scid  }
0x8b: {  	s0 =	sand.u32 $0x1, s1  }
0x8c: {  	s17 =	sshll.u32 s0, $0xA;
	s2 =	sadd.s32 s3, s2  }
0x8d: {  	s2 =	sadd.s32 s2, s17  }
0x8e: {  	[smem:$0x3FC7] =	sst s2  }
0x8f: {  	_ = 	snop  }
0x90: {  	s2 =	sld [smem:$0x3FD0];
	(tm) =	ssettm $0x1  }
0x91: {  	s18 =	sld [smem:$0x3FFB];
	_ =	sdelay $0x3  }
0x92: {  	_ =	strace s18  }
0x93: {  	s3 =	sld [smem:$0x3FFC];
	_ =	sdelay $0x3  }
0x94: {  	_ =	strace s3  }
0x95: {  	s3 =	sld [smem:$0x3FFD];
	_ =	sdelay $0x3  }
0x96: {  	_ =	strace s3  }
0x97: {  	_ =	strace $0x8FFFFFFF  }
0x98: {  	s19 =	sld [smem:$0x3FDB];
	_ =	sdelay $0x1  }
0x99: {  	s4 =	simm.s32 $_scs_section_size  }
0x9a: {  	s5 =	simm.s32 $_size__tile_overlayer_lowered;
	s6 =	simm.s32 $_tile_overlayer_lowered  }
0x9b: {  	s22 =	simm.s32 $0x1BFF;
	s21 =	sshll.u32 s6, $0x1;
	s3 =	sadd.s32 s4, s19  }
0x9c: {  	s7 =	simm.s32 $0x0;
	s20 =	sshll.u32 s5, $0x1;
	s5 =	sadd.s32 s21, s3  }
0x9d: {  	[timem:s7], [sflag:s22] =	dma.local [hbm:s5], s20  }
0x9e: {  	_ =	swait.ge [sflag:s22], s20  }
0x9f: {  	s4 =	ssub.s32 $0x0, s20;
	[sflag:s22] =	ssyncset.done $0x0  }
0xa0: {  	[sflag:s22] =	ssyncadd.s32 s4;
	_ =	sdelay $0x1  }
0xa1: {  	s23 =	simm.s32 $0x1B8B  }
0xa2: {  	_ =	swait.ge [sflag:s23], $0x1  }
0xa3: {  	[sflag:s23] =	ssyncset.done $0x0  }
0xa4: {  	s25 =	simm.s32 $0x1B8E;
	s24 =	sld [smem:$0x3FFE];
	[sflag:s23] =	ssyncadd.s32 $0xFFFFFFFF  }
0xa5: {  	s26 =	simm.s32 $execute0_lowered;
	[smem:$0x3FD2] =	sst s25  }
0xa6: {  	s5 =	sshll.u32 s26, $0x1;
	_ =	strace $0x80000046;
	[dreg:$0x1] =	wrdreg $0xFFFFFFFF  }
0xa7: {  	s28 =	simm.s32 $_size_execute0_lowered;
	s3 =	sadd.s32 s3, s5;
	[dreg:$0x0] =	wrdreg $0x0  }
0xa8: {  	s5 =	sshll.u32 s28, $0x1;
	[dreg:$0x2] =	wrdreg s3  }
0xa9: {  	[dreg:$0x3] =	wrdreg s5  }
0xaa: {  	[dreg:$0x4] =	wrdreg $0xC0  }
0xab: {  	_ =	task [dreg:s7], $0x5FFFF  }
0xac: {  	[dreg:$0x1] =	wrdreg $0xFFFFFFFF  }
0xad: {  	[dreg:$0x0] =	wrdreg $0x60  }
0xae: {  	[dreg:$0x2] =	wrdreg s24  }
0xaf: {  	[dreg:$0x3] =	wrdreg s2  }
0xb0: {  	[dreg:$0x4] =	wrdreg $0x9  }
0xb1: {  	_ =	task.clear_ibuf [dreg:s7], $0x5FFFF;
	_ =	strace $0x90000046  }
0xb2: {  	s29 =	simm.s32 $0x9;
	_ =	strace $0x80000048  }
0xb3: {  	_ =	swait.ge [sflag:s29], $0x1  }
0xb4: {  	[sflag:s29] =	ssyncadd.s32 $0xFFFFFFFF  }
0xb5: {  	_ =	strace $0x90000048  }
0xb6: {  	_ =	sfence  }
0xb7: {  	s30 =	sld [smem:$0x0];
	_ =	sdelay $0x2  }
0xb8: {  	s31 =	sshll.u32 s1, $0xD;
	s1 =	sshrl.u32 s1, $0x2  }
0xb9: {  	s3 =	sand.u32 $0x4000, s31;
	s1 =	sadd.s32 s1, s30  }
0xba: {  	s0 =	sor.u32 s3, s0;
	s1 =	sshll.u32 s1, $0x11  }
0xbb: {  	s0 =	sor.u32 s1, s0  }
0xbc: {  	s0 =	sadd.s32 $0x8F2B, s0  }
0xbd: {  	[sflag:s0] =	ssyncadd.remote.s32 $0x1  }
0xbe: {  	_ =	sfence.sel $0xFFFF  }
0xbf: {  	[dreg:$0x0] =	wrdreg $0xFFFFFFFF;
	(pc) =	sbr.abs _section_cstart, $3  }
0xc0: {  	[dreg:$0x1] =	wrdreg $0xFFFFFFFF  }
0xc1: {  	_ =	task.clear_ibuf [dreg:s7], $0x2FFFF;
	_ =	strace $0x9FFFFFFF  }
0xc2: {  	(tm) =	ssettm $0x7FFFFFFF  }
0xc3: {  	_ =	shalt  }
tec
execute0_lowered:
.L_overlay_start_1:
0x0: {  	(tag) =	ssettag $0x1  }
0x1: {  	s0 =	srdreg.scid;
	s1 =	stileid.u32  }
0x2: {  	s3 =	rddreg [dreg:$0x0];
	s5 =	sand.u32 $0x1, s0;
	s7 =	smul.u32 $0x4E20, s1  }
0x3: {  	s4 =	rddreg [dreg:$0x1];
	s2 =	simm.s32 $0x0;
	s6 =	smul.u32 $0x4E200, s5  }
0x4: {  	s0 =	rddreg [dreg:$0x2];
	s9 =	sshrl.u32 s1, $0x3;
	s8 =	smul.u32 $0x28000, s5  }
0x5: {  	[smem:$0x7FF] =	sst s2;
	s28 =	sshll.u32 s1, $0x7;
	s26 =	smul.u32 $0x14000, s9  }
0x6: {  	_ =	strace $0x80000047;
	s5 =	ssub.s32 $0x2, s5;
	s29 =	sand.u32 $0x380, s28  }
0x7: {  	s9 =	simm.s32 $0x400;
	s30 =	sshrl.u32 s5, $0x1;
	s6 =	sadd.s32 s7, s6  }
0x8: {  	s7 =	sadd.s32 s8, s26;
	s5 =	ssub.s32 s5, s30;
	s8 =	simm.s32 $0x80  }
0x9: {  	s6 =	sshrl.u32 s6, $0x3;
	s7 =	sor.u32 s29, s7;
	s5 =	smax.u32 s5, $0x1  }
0xa: {  	s3 =	sadd.s32 s6, s3;
	s31 =	sshrl.u32 s7, $0x3;
	s6 =	simm.s32 $0x1  }
0xb: {  	v0 =	vimm.f32 $0.0e+00;
	v1 =	vimm.f32 $1.000000000e+00;
	s7 =	simm.s32 $0x4E80;
	s3 =	sadd.s32 $0x400, s3;
	s4 =	sadd.s32 s4, s31  }
.LBB2_1:
0xc: {  	s10 =	simm.s32 $0x40;
	s11 =	simm.s32 $0x0  }
.LBB2_2:
0xd: {  	p0 =	sne.s32 s10, $0x9FC0;
	[tilespmem:s11+$0x4E80] =	vst v0;
	s11 =	smov.u32 s10;
	s10 =	sadd.s32 $0x40, s10  }
.Ltmp0:
0xe: {  	(pc) =	sbr.rel @p0 .LBB2_2-.Ltmp0, $2  }
0xf: {  	_ =	sdelay $0x2  }
0x10: {  	s11 =	sshra.s32 s11, $0x2  }
0x11: {  	[tilespmem:s11+$0x4E80] =	vst v0;
	s10 =	simm.s32 $0x0  }
0x12: {  	[tilespmem:s10], [sflag:$0x1] =	stream.linear.gather [hbm4b:s3+s10], $0x4E20, $0x38;
	[tilespmem:$0x7680] =	vst v63  }
0x13: {  	_ =	swait.ge [sflag:s6], $0x4E20  }
0x14: {  	[sflag:s6] =	ssyncset.done $0x0  }
0x15: {  	s11 =	simm.s32 $0x0;
	s10 =	simm.s32 $0x40;
	[sflag:s6] =	ssyncadd.s32 $0xFFFFB1E0  }
.LBB2_4:
0x16: {  	p0 =	sne.s32 s10, $0x13840;
	v2 =	vld [tilespmem:s11+$0x0];
	_ =	sdelay $0x3  }
.Ltmp1:
0x17: {  	(pc) =	sbr.rel @p0 .LBB2_4-.Ltmp1, $2  }
0x18: {  	_ =	sdelay $0x2  }
0x19: {  	s11 =	sshra.s32 s10, $0x2;
	s10 =	sadd.s32 $0x40, s10;
	[tilespmem:v2+s7+$0x0] =	vst.idx.add.f32.msk $0xffff, v1  }
0x1a: {  	v2 =	vld [tilespmem:s11+$0x0];
	_ =	sdelay $0x5  }
0x1b: {  	s2 =	sadd.s32 $0x1, s2  }
0x1c: {  	p0 =	sne.s32 s2, s5  }
.Ltmp2:
0x1d: {  	[tilespmem:v2+s7+$0x0] =	vst.idx.add.f32.msk $0xffff, v1;
	(pc) =	sbr.rel @p0 .LBB2_1-.Ltmp2, $4  }
0x1e: {  	[hbm4b:s4+s8] =	stream.strided.scatter [tilespmem:s7], [sflag:$0x1], $0x2800, s9, s8, $0x38;
	[tilespmem:$0x7680] =	vst v63  }
0x1f: {  	_ =	swait.ge [sflag:s6], $0x2800  }
0x20: {  	[sflag:s6] =	ssyncset.done $0x0  }
0x21: {  	[sflag:s6] =	ssyncadd.s32 $0xFFFFD800  }
0x22: {  	_ =	sfence.sel $0x180000  }
0x23: {  	[bflag:$0x0] =	sbarrier.arrive $0xFFFF  }
0x24: {  	p0 =	sne.s32 s1, $0x0;
	_ =	strace $0x90000047  }
0x25: {  	s0 =	sadd.s32 @!p0 $0x100000, s0;
	[bflag:$0x2] =	sbarrier.arrive $0xFFFF  }
0x26: {  	[sflag:s0] =	ssyncadd.tile.s32 @!p0 $0x1;
	_ =	shalt  }
.Lfunc_end2:
_tile_overlayer_lowered:
.L_overlay_start_2:
0x27: {  	(tag) =	ssettag $0x2  }
0x28: {  	s0 =	rddreg [dreg:$0x0];
	s2 =	stileid.u32  }
0x29: {  	s1 =	rddreg [dreg:$0x1];
	p0 =	sne.s32 s2, $0x0  }
0x2a: {  	s3 =	rddreg [dreg:$0x2];
	[bflag:$0x3] =	sbarrier.arrive $0xFFFF;
	s2 =	simm.s32 @!p0 $0x1C02  }
0x2b: {  	[timem:s3], [sflag:s2] =	dma.local @!p0 [hbm:s0], s1  }
0x2c: {  	s0 =	simm.s32 @!p0 $0x2  }
0x2d: {  	_ =	swait.ge @!p0 [sflag:s0], s1  }
0x2e: {  	s1 =	ssub.s32 @!p0 $0x0, s1;
	[sflag:s0] =	ssyncset.done @!p0 $0x0  }
0x2f: {  	[sflag:s0] =	ssyncadd.s32 @!p0 s1  }
0x30: {  	[bflag:$0x3] =	sbarrier.arrive $0xFFFF  }
0x31: {  	_ =	shalt  }

</sc_bundles>
